<compile_context>
chip_gen: v7x
topology: tpu7x:2x2x1
jax: 0.10.2.dev20260603
libtpu: 0.0.44.dev20260713+nightly
codegen_flags: <defaults>
</compile_context>

<pallas_src>
import functools

import jax
import jax.numpy as jnp
from jax import lax
from jax.experimental import pallas as pl
from jax.experimental.pallas import tpu as pltpu
from jax.experimental.pallas import tpu_sc as plsc

D = 64
DP = 128
T = 4096
TH = T // 2
B = 4
V = 256
ROWS = B * T
QROWS = B * TH // 2
NC, NS, L = 2, 16, 16
NW = NC * NS
PPW = QROWS // NW



_MESH = plsc.VectorSubcoreMesh(core_axis_name="c", subcore_axis_name="s")


@functools.partial(
    pl.kernel,
    out_type=jax.ShapeDtypeStruct((QROWS, DP), jnp.float32),
    mesh=_MESH,
    compiler_params=pltpu.CompilerParams(use_tc_tiling_on_sc=False),
    scratch_types=[
        pltpu.VMEM((PPW,), jnp.int32),
        pltpu.VMEM((PPW,), jnp.int32),
        pltpu.VMEM((PPW, D), jnp.float32),
        pltpu.VMEM((PPW, D), jnp.float32),
        pltpu.SemaphoreType.DMA,
        pltpu.SemaphoreType.DMA,
    ],
)
def _sc_gather(x_hbm, table_hbm, out_hbm, idxa_v, idxb_v, rowsa_v, rowsb_v,
               sema, semb):
    wid = lax.axis_index("s") * NC + lax.axis_index("c")
    base = wid * PPW
    b01 = wid // 16
    flata = b01 * T + (wid % 16) * PPW
    pltpu.sync_copy(x_hbm.at[pl.ds(flata, PPW)], idxa_v)
    ga = pltpu.async_copy(table_hbm.at[idxa_v], rowsa_v, sema)
    pltpu.sync_copy(x_hbm.at[pl.ds(flata + 2 * T, PPW)], idxb_v)
    gb = pltpu.async_copy(table_hbm.at[idxb_v], rowsb_v, semb)
    out_slice = out_hbm.at[pl.ds(base, PPW)]
    ga.wait()
    pltpu.sync_copy(rowsa_v, out_slice.at[:, pl.ds(0, D)])
    gb.wait()
    pltpu.sync_copy(rowsb_v, out_slice.at[:, pl.ds(D, D)])



def _finish_body(g_ref, x_ref, byte_ref, pos_ref, w_ref, b_ref, y_ref):
    bb = pl.program_id(0)
    dn = (((1,), (1,)), ((), ()))
    w = w_ref[...]
    bias = b_ref[...]
    pos_lo = pos_ref[:TH]
    pos_hi = pos_ref[TH:]

    @pl.when(bb < 2)
    def _():
        y_ref[0, :TH] = lax.dot_general(
            g_ref[:, :D] + pos_lo, w, dn,
            preferred_element_type=jnp.float32) + bias

    @pl.when(bb >= 2)
    def _():
        y_ref[0, :TH] = lax.dot_general(
            g_ref[:, D:] + pos_lo, w, dn,
            preferred_element_type=jnp.float32) + bias

    idx = x_ref[0, 0]
    iota = lax.broadcasted_iota(jnp.int32, (TH, V), 1)
    oh = (idx[:, None] == iota).astype(jnp.float32)
    ge = lax.dot_general(oh, byte_ref[...], (((1,), (0,)), ((), ())),
                         preferred_element_type=jnp.float32)
    y_ref[0, TH:] = lax.dot_general(
        ge + pos_hi, w, dn, preferred_element_type=jnp.float32) + bias


def _tc_finish(g2, xhi3, byte_embed, pos_embed, W, b2d):
    return pl.pallas_call(
        _finish_body,
        grid=(B,),
        in_specs=[
            pl.BlockSpec((TH, DP), lambda bb: (bb % 2, 0)),
            pl.BlockSpec((1, 1, TH), lambda bb: (bb, 0, 0)),
            pl.BlockSpec((V, D), lambda bb: (0, 0)),
            pl.BlockSpec((T, D), lambda bb: (0, 0)),
            pl.BlockSpec((D, D), lambda bb: (0, 0)),
            pl.BlockSpec((1, D), lambda bb: (0, 0)),
        ],
        out_specs=pl.BlockSpec((1, T, D), lambda bb: (bb, 0, 0)),
        out_shape=jax.ShapeDtypeStruct((B, T, D), jnp.float32),
    )(g2, xhi3, byte_embed, pos_embed, W, b2d)



def kernel(x, byte_embed, pos_embed, W, b):
    xi = x.astype(jnp.int32)
    x_flat = xi.reshape(ROWS)
    g2 = _sc_gather(x_flat, byte_embed)
    xhi3 = xi[:, TH:].reshape(B, 1, TH)
    return _tc_finish(g2, xhi3, byte_embed, pos_embed, W, b.reshape(1, D))

# --- scband reference (transcript-rebuilt; emitter-appended) ---
"""Pipeline reference for scband-byte-encoder-14834817040762 (READ-ONLY COPY).

The authoritative reference and input builder live on the scoring server;
editing this copy changes nothing except your own understanding.
"""

import jax, jax.numpy as jnp
import numpy as np

D_MODEL = 64
MAX_LEN = 4096
VOCAB = 256
B, T = 4, 4096


def setup_inputs(seed: int = 0) -> dict:
    key = jax.random.key(seed)
    k1, k2, k3, k4, k5 = jax.random.split(key, 5)
    x = jax.random.randint(k1, (B, T), 0, VOCAB, dtype=jnp.int64 if jax.config.jax_enable_x64 else jnp.int32)
    byte_embed = jax.random.normal(k2, (VOCAB, D_MODEL), dtype=jnp.float32)
    pos_embed = jax.random.normal(k3, (MAX_LEN, D_MODEL), dtype=jnp.float32)
    # nn.Linear(d_model, d_model): weight [out, in], bias [out]
    lim = 1.0 / np.sqrt(D_MODEL)
    W = jax.random.uniform(k4, (D_MODEL, D_MODEL), minval=-lim, maxval=lim, dtype=jnp.float32)
    b = jax.random.uniform(k5, (D_MODEL,), minval=-lim, maxval=lim, dtype=jnp.float32)
    return {"x": x, "byte_embed": byte_embed, "pos_embed": pos_embed, "W": W, "b": b}


def reference(x, byte_embed, pos_embed, W, b):
    # byte_emb = self.byte_embed(x): gather from [256, d_model]
    byte_emb = jnp.take(byte_embed, x, axis=0)            # (B, T, D)
    # pos_emb = self.pos_embed(arange(T)): gather from [max_len, d_model]
    T_ = x.shape[1]
    pos = jnp.arange(T_)
    pos_emb = jnp.take(pos_embed, pos, axis=0)            # (T, D)
    h = byte_emb + pos_emb[None, :, :]                    # broadcast add
    # self.proj(h): Linear, y = h @ W.T + b
    h = jnp.einsum("btd,od->bto", h, W) + b
    return h

if __name__ == "__main__":
    import jax
    _d = setup_inputs()
    print(jax.jit(kernel)(*tuple(_d.values())))

</pallas_src>

<mosaic_0001>
#map = affine_map<(d0, d1) -> (0)>
#map1 = affine_map<(d0, d1) -> (0, 0)>
module attributes {stable_mosaic.version = 14 : i64} {
  func.func @_sc_gather(%arg0: i32, %arg1: i32, %arg2: memref<16384xi32, #tpu.memory_space<hbm>>, %arg3: memref<256x64xf32, #tpu.memory_space<hbm>>, %arg4: memref<4096x128xf32, #tpu.memory_space<hbm>>, %arg5: memref<128xi32, #tpu.memory_space<vmem>>, %arg6: memref<128xi32, #tpu.memory_space<vmem>>, %arg7: memref<128x64xf32, #tpu.memory_space<vmem>>, %arg8: memref<128x64xf32, #tpu.memory_space<vmem>>, %arg9: memref<!tpu.dma_semaphore, #tpu.memory_space<semaphore_mem>>, %arg10: memref<!tpu.dma_semaphore, #tpu.memory_space<semaphore_mem>>) attributes {dimension_semantics = [#tpu.dimension_semantics<core_parallel>, #tpu.dimension_semantics<subcore_parallel>], iteration_bounds = array<i64: 2, 16>, scalar_prefetch = 0 : i64, scratch_operands = 6 : i64, tpu.core_type = #tpu.core_type<sc_vector_subcore>, window_params = [{transform_indices = #map}, {transform_indices = #map1}, {transform_indices = #map1}]} {
    %mul3A = arith.constant 2 : i32
    %mul3A_0 = arith.muli %arg1, %mul3A : i32
    %add3A = arith.addi %mul3A_0, %arg0 : i32
    %mul3A_1 = arith.constant 128 : i32
    %mul3A_2 = arith.muli %add3A, %mul3A_1 : i32
    %jit3A = arith.constant 16 : i32
    %div3A = arith.divsi %add3A, %jit3A : i32
    %sign3A = arith.constant 0 : i32
    %sign3A_3 = arith.cmpi sgt, %add3A, %sign3A : i32
    %sign3A_4 = arith.extui %sign3A_3 : i1 to i32
    %sign3A_5 = arith.constant 0 : i32
    %sign3A_6 = arith.cmpi slt, %add3A, %sign3A_5 : i32
    %sign3A_7 = arith.extui %sign3A_6 : i1 to i32
    %sign3A_8 = arith.subi %sign3A_4, %sign3A_7 : i32
    %sign3A_9 = arith.constant 0 : i32
    %sign3A_10 = arith.cmpi sgt, %jit3A, %sign3A_9 : i32
    %sign3A_11 = arith.extui %sign3A_10 : i1 to i32
    %sign3A_12 = arith.constant 0 : i32
    %sign3A_13 = arith.cmpi slt, %jit3A, %sign3A_12 : i32
    %sign3A_14 = arith.extui %sign3A_13 : i1 to i32
    %sign3A_15 = arith.subi %sign3A_11, %sign3A_14 : i32
    %ne3A = arith.cmpi ne, %sign3A_8, %sign3A_15 : i32
    %rem3A = arith.remsi %add3A, %jit3A : i32
    %ne3A_16 = arith.constant 0 : i32
    %ne3A_17 = arith.cmpi ne, %rem3A, %ne3A_16 : i32
    %and3A = arith.andi %ne3A, %ne3A_17 : i1
    %sub3A = arith.constant 1 : i32
    %sub3A_18 = arith.subi %div3A, %sub3A : i32
    %select_n3A = arith.select %and3A, %sub3A_18, %div3A : i32
    %mul3A_19 = arith.constant 4096 : i32
    %mul3A_20 = arith.muli %select_n3A, %mul3A_19 : i32
    %jit3A_21 = arith.constant 16 : i32
    %eq3A = arith.constant 0 : i32
    %eq3A_22 = arith.cmpi eq, %jit3A_21, %eq3A : i32
    %jit3A_23 = arith.constant 1 : i32
    %select_n3A_24 = arith.select %eq3A_22, %jit3A_23, %jit3A_21 : i32
    %rem3A_25 = arith.remsi %add3A, %select_n3A_24 : i32
    %ne3A_26 = arith.constant 0 : i32
    %ne3A_27 = arith.cmpi ne, %rem3A_25, %ne3A_26 : i32
    %lt3A = arith.constant 0 : i32
    %lt3A_28 = arith.cmpi slt, %rem3A_25, %lt3A : i32
    %lt3A_29 = arith.constant 0 : i32
    %lt3A_30 = arith.cmpi slt, %select_n3A_24, %lt3A_29 : i32
    %ne3A_31 = arith.xori %lt3A_28, %lt3A_30 : i1
    %and3A_32 = arith.andi %ne3A_31, %ne3A_27 : i1
    %add3A_33 = arith.addi %rem3A_25, %select_n3A_24 : i32
    %select_n3A_34 = arith.select %and3A_32, %add3A_33, %rem3A_25 : i32
    %mul3A_35 = arith.constant 128 : i32
    %mul3A_36 = arith.muli %select_n3A_34, %mul3A_35 : i32
    %add3A_37 = arith.addi %mul3A_20, %mul3A_36 : i32
    "tpu.region"() ({
      %run_scoped3A = tpu.sem_alloc : memref<!tpu.dma_semaphore, #tpu.memory_space<semaphore_mem>>
      %dma_start3A_50 = tpu.memref_slice %arg2[%add3A_37] : memref<16384xi32, #tpu.memory_space<hbm>> -> memref<128xi32, #tpu.memory_space<hbm>>
      %dma_start3A_51 = tpu.memref_slice %arg2[%add3A_37] : memref<16384xi32, #tpu.memory_space<hbm>> -> memref<128xi32, #tpu.memory_space<hbm>>
      tpu.enqueue_dma source(%dma_start3A_51 : memref<128xi32, #tpu.memory_space<hbm>>) target(%arg5 : memref<128xi32, #tpu.memory_space<vmem>>) target_semaphore(%run_scoped3A : memref<!tpu.dma_semaphore, #tpu.memory_space<semaphore_mem>>)
      %dma_wait3A_52 = tpu.memref_slice %arg2[%add3A_37] : memref<16384xi32, #tpu.memory_space<hbm>> -> memref<128xi32, #tpu.memory_space<hbm>>
      %dma_wait3A_53 = tpu.memref_slice %arg2[%add3A_37] : memref<16384xi32, #tpu.memory_space<hbm>> -> memref<128xi32, #tpu.memory_space<hbm>>
      tpu.wait_dma2 semaphore(%run_scoped3A : memref<!tpu.dma_semaphore, #tpu.memory_space<semaphore_mem>>) src(%dma_wait3A_53 : memref<128xi32, #tpu.memory_space<hbm>>) dst(%arg5 : memref<128xi32, #tpu.memory_space<vmem>>)
      tpu.yield
    }) : () -> ()
    %dma_start3A = arith.constant 0 : i32
    %dma_start3A_38 = arith.constant 0 : i32
    %dma_start3A_39 = tpu.memref_slice %arg3[%dma_start3A, %dma_start3A_38] : memref<256x64xf32, #tpu.memory_space<hbm>> -> memref<256x64xf32, #tpu.memory_space<hbm>>
    tpu.enqueue_indirect_dma source(%dma_start3A_39 : memref<256x64xf32, #tpu.memory_space<hbm>>) target(%arg7 : memref<128x64xf32, #tpu.memory_space<vmem>>) offsets(%arg5 : memref<128xi32, #tpu.memory_space<vmem>>) semaphore(%arg9 : memref<!tpu.dma_semaphore, #tpu.memory_space<semaphore_mem>>)
    %add3A_40 = arith.constant 8192 : i32
    %add3A_41 = arith.addi %add3A_37, %add3A_40 : i32
    "tpu.region"() ({
      %run_scoped3A = tpu.sem_alloc : memref<!tpu.dma_semaphore, #tpu.memory_space<semaphore_mem>>
      %dma_start3A_50 = tpu.memref_slice %arg2[%add3A_41] : memref<16384xi32, #tpu.memory_space<hbm>> -> memref<128xi32, #tpu.memory_space<hbm>>
      %dma_start3A_51 = tpu.memref_slice %arg2[%add3A_41] : memref<16384xi32, #tpu.memory_space<hbm>> -> memref<128xi32, #tpu.memory_space<hbm>>
      tpu.enqueue_dma source(%dma_start3A_51 : memref<128xi32, #tpu.memory_space<hbm>>) target(%arg6 : memref<128xi32, #tpu.memory_space<vmem>>) target_semaphore(%run_scoped3A : memref<!tpu.dma_semaphore, #tpu.memory_space<semaphore_mem>>)
      %dma_wait3A_52 = tpu.memref_slice %arg2[%add3A_41] : memref<16384xi32, #tpu.memory_space<hbm>> -> memref<128xi32, #tpu.memory_space<hbm>>
      %dma_wait3A_53 = tpu.memref_slice %arg2[%add3A_41] : memref<16384xi32, #tpu.memory_space<hbm>> -> memref<128xi32, #tpu.memory_space<hbm>>
      tpu.wait_dma2 semaphore(%run_scoped3A : memref<!tpu.dma_semaphore, #tpu.memory_space<semaphore_mem>>) src(%dma_wait3A_53 : memref<128xi32, #tpu.memory_space<hbm>>) dst(%arg6 : memref<128xi32, #tpu.memory_space<vmem>>)
      tpu.yield
    }) : () -> ()
    %dma_start3A_42 = arith.constant 0 : i32
    %dma_start3A_43 = arith.constant 0 : i32
    %dma_start3A_44 = tpu.memref_slice %arg3[%dma_start3A_42, %dma_start3A_43] : memref<256x64xf32, #tpu.memory_space<hbm>> -> memref<256x64xf32, #tpu.memory_space<hbm>>
    tpu.enqueue_indirect_dma source(%dma_start3A_44 : memref<256x64xf32, #tpu.memory_space<hbm>>) target(%arg8 : memref<128x64xf32, #tpu.memory_space<vmem>>) offsets(%arg6 : memref<128xi32, #tpu.memory_space<vmem>>) semaphore(%arg10 : memref<!tpu.dma_semaphore, #tpu.memory_space<semaphore_mem>>)
    %dma_wait3A = arith.constant 0 : i32
    %dma_wait3A_45 = arith.constant 0 : i32
    %dma_wait3A_46 = tpu.memref_slice %arg3[%dma_wait3A, %dma_wait3A_45] : memref<256x64xf32, #tpu.memory_space<hbm>> -> memref<256x64xf32, #tpu.memory_space<hbm>>
    tpu.wait_indirect_dma semaphore(%arg9 : memref<!tpu.dma_semaphore, #tpu.memory_space<semaphore_mem>>) src(%dma_wait3A_46 : memref<256x64xf32, #tpu.memory_space<hbm>>) dst(%arg7 : memref<128x64xf32, #tpu.memory_space<vmem>>)
    "tpu.region"() ({
      %run_scoped3A = tpu.sem_alloc : memref<!tpu.dma_semaphore, #tpu.memory_space<semaphore_mem>>
      %dma_start3A_50 = arith.constant 0 : i32
      %dma_start3A_51 = tpu.memref_slice %arg4[%mul3A_2, %dma_start3A_50] : memref<4096x128xf32, #tpu.memory_space<hbm>> -> memref<128x128xf32, #tpu.memory_space<hbm>>
      %dma_start3A_52 = arith.constant 0 : i32
      %dma_start3A_53 = arith.constant 0 : i32
      %dma_start3A_54 = tpu.memref_slice %dma_start3A_51[%dma_start3A_52, %dma_start3A_53] : memref<128x128xf32, #tpu.memory_space<hbm>> -> memref<128x64xf32, #tpu.memory_space<hbm>>
      %dma_start3A_55 = arith.constant 0 : i32
      %dma_start3A_56 = tpu.memref_slice %arg4[%mul3A_2, %dma_start3A_55] : memref<4096x128xf32, #tpu.memory_space<hbm>> -> memref<128x128xf32, #tpu.memory_space<hbm>>
      %dma_start3A_57 = arith.constant 0 : i32
      %dma_start3A_58 = arith.constant 0 : i32
      %dma_start3A_59 = tpu.memref_slice %dma_start3A_56[%dma_start3A_57, %dma_start3A_58] : memref<128x128xf32, #tpu.memory_space<hbm>> -> memref<128x64xf32, #tpu.memory_space<hbm>>
      tpu.enqueue_dma source(%arg7 : memref<128x64xf32, #tpu.memory_space<vmem>>) target(%dma_start3A_59 : memref<128x64xf32, #tpu.memory_space<hbm>>) target_semaphore(%run_scoped3A : memref<!tpu.dma_semaphore, #tpu.memory_space<semaphore_mem>>)
      %dma_wait3A_60 = arith.constant 0 : i32
      %dma_wait3A_61 = tpu.memref_slice %arg4[%mul3A_2, %dma_wait3A_60] : memref<4096x128xf32, #tpu.memory_space<hbm>> -> memref<128x128xf32, #tpu.memory_space<hbm>>
      %dma_wait3A_62 = arith.constant 0 : i32
      %dma_wait3A_63 = arith.constant 0 : i32
      %dma_wait3A_64 = tpu.memref_slice %dma_wait3A_61[%dma_wait3A_62, %dma_wait3A_63] : memref<128x128xf32, #tpu.memory_space<hbm>> -> memref<128x64xf32, #tpu.memory_space<hbm>>
      %dma_wait3A_65 = arith.constant 0 : i32
      %dma_wait3A_66 = tpu.memref_slice %arg4[%mul3A_2, %dma_wait3A_65] : memref<4096x128xf32, #tpu.memory_space<hbm>> -> memref<128x128xf32, #tpu.memory_space<hbm>>
      %dma_wait3A_67 = arith.constant 0 : i32
      %dma_wait3A_68 = arith.constant 0 : i32
      %dma_wait3A_69 = tpu.memref_slice %dma_wait3A_66[%dma_wait3A_67, %dma_wait3A_68] : memref<128x128xf32, #tpu.memory_space<hbm>> -> memref<128x64xf32, #tpu.memory_space<hbm>>
      tpu.wait_dma2 semaphore(%run_scoped3A : memref<!tpu.dma_semaphore, #tpu.memory_space<semaphore_mem>>) src(%arg7 : memref<128x64xf32, #tpu.memory_space<vmem>>) dst(%dma_wait3A_69 : memref<128x64xf32, #tpu.memory_space<hbm>>)
      tpu.yield
    }) : () -> ()
    %dma_wait3A_47 = arith.constant 0 : i32
    %dma_wait3A_48 = arith.constant 0 : i32
    %dma_wait3A_49 = tpu.memref_slice %arg3[%dma_wait3A_47, %dma_wait3A_48] : memref<256x64xf32, #tpu.memory_space<hbm>> -> memref<256x64xf32, #tpu.memory_space<hbm>>
    tpu.wait_indirect_dma semaphore(%arg10 : memref<!tpu.dma_semaphore, #tpu.memory_space<semaphore_mem>>) src(%dma_wait3A_49 : memref<256x64xf32, #tpu.memory_space<hbm>>) dst(%arg8 : memref<128x64xf32, #tpu.memory_space<vmem>>)
    "tpu.region"() ({
      %run_scoped3A = tpu.sem_alloc : memref<!tpu.dma_semaphore, #tpu.memory_space<semaphore_mem>>
      %dma_start3A_50 = arith.constant 0 : i32
      %dma_start3A_51 = tpu.memref_slice %arg4[%mul3A_2, %dma_start3A_50] : memref<4096x128xf32, #tpu.memory_space<hbm>> -> memref<128x128xf32, #tpu.memory_space<hbm>>
      %dma_start3A_52 = arith.constant 0 : i32
      %dma_start3A_53 = arith.constant 64 : i32
      %dma_start3A_54 = tpu.memref_slice %dma_start3A_51[%dma_start3A_52, %dma_start3A_53] : memref<128x128xf32, #tpu.memory_space<hbm>> -> memref<128x64xf32, #tpu.memory_space<hbm>>
      %dma_start3A_55 = arith.constant 0 : i32
      %dma_start3A_56 = tpu.memref_slice %arg4[%mul3A_2, %dma_start3A_55] : memref<4096x128xf32, #tpu.memory_space<hbm>> -> memref<128x128xf32, #tpu.memory_space<hbm>>
      %dma_start3A_57 = arith.constant 0 : i32
      %dma_start3A_58 = arith.constant 64 : i32
      %dma_start3A_59 = tpu.memref_slice %dma_start3A_56[%dma_start3A_57, %dma_start3A_58] : memref<128x128xf32, #tpu.memory_space<hbm>> -> memref<128x64xf32, #tpu.memory_space<hbm>>
      tpu.enqueue_dma source(%arg8 : memref<128x64xf32, #tpu.memory_space<vmem>>) target(%dma_start3A_59 : memref<128x64xf32, #tpu.memory_space<hbm>>) target_semaphore(%run_scoped3A : memref<!tpu.dma_semaphore, #tpu.memory_space<semaphore_mem>>)
      %dma_wait3A_60 = arith.constant 0 : i32
      %dma_wait3A_61 = tpu.memref_slice %arg4[%mul3A_2, %dma_wait3A_60] : memref<4096x128xf32, #tpu.memory_space<hbm>> -> memref<128x128xf32, #tpu.memory_space<hbm>>
      %dma_wait3A_62 = arith.constant 0 : i32
      %dma_wait3A_63 = arith.constant 64 : i32
      %dma_wait3A_64 = tpu.memref_slice %dma_wait3A_61[%dma_wait3A_62, %dma_wait3A_63] : memref<128x128xf32, #tpu.memory_space<hbm>> -> memref<128x64xf32, #tpu.memory_space<hbm>>
      %dma_wait3A_65 = arith.constant 0 : i32
      %dma_wait3A_66 = tpu.memref_slice %arg4[%mul3A_2, %dma_wait3A_65] : memref<4096x128xf32, #tpu.memory_space<hbm>> -> memref<128x128xf32, #tpu.memory_space<hbm>>
      %dma_wait3A_67 = arith.constant 0 : i32
      %dma_wait3A_68 = arith.constant 64 : i32
      %dma_wait3A_69 = tpu.memref_slice %dma_wait3A_66[%dma_wait3A_67, %dma_wait3A_68] : memref<128x128xf32, #tpu.memory_space<hbm>> -> memref<128x64xf32, #tpu.memory_space<hbm>>
      tpu.wait_dma2 semaphore(%run_scoped3A : memref<!tpu.dma_semaphore, #tpu.memory_space<semaphore_mem>>) src(%arg8 : memref<128x64xf32, #tpu.memory_space<vmem>>) dst(%dma_wait3A_69 : memref<128x64xf32, #tpu.memory_space<hbm>>)
      tpu.yield
    }) : () -> ()
    return
  }
}

module attributes {stable_mosaic.version = 14 : i64} {
  func.func @_finish_body(%arg0: i32, %arg1: memref<2048x128xf32, #tpu.memory_space<vmem>>, %arg2: memref<1x1x2048xi32, #tpu.memory_space<vmem>>, %arg3: memref<256x64xf32, #tpu.memory_space<vmem>>, %arg4: memref<4096x64xf32, #tpu.memory_space<vmem>>, %arg5: memref<64x64xf32, #tpu.memory_space<vmem>>, %arg6: memref<1x64xf32, #tpu.memory_space<vmem>>, %arg7: memref<1x4096x64xf32, #tpu.memory_space<vmem>>) attributes {dimension_semantics = [#tpu.dimension_semantics<arbitrary>], iteration_bounds = array<i64: 4>, scalar_prefetch = 0 : i64, scratch_operands = 0 : i64, tpu.core_type = #tpu.core_type<tc>, window_params = [{transform_indices = @transform_0, window_bounds = array<i64: 2048, 128>}, {transform_indices = @transform_1, window_bounds = array<i64: 1, 1, 2048>}, {pipeline_mode = #tpu.pipeline_mode<synchronous>, transform_indices = @transform_2, window_bounds = array<i64: 256, 64>}, {pipeline_mode = #tpu.pipeline_mode<synchronous>, transform_indices = @transform_3, window_bounds = array<i64: 4096, 64>}, {pipeline_mode = #tpu.pipeline_mode<synchronous>, transform_indices = @transform_4, window_bounds = array<i64: 64, 64>}, {pipeline_mode = #tpu.pipeline_mode<synchronous>, transform_indices = @transform_5, window_bounds = array<i64: 1, 64>}, {transform_indices = @transform_6, window_bounds = array<i64: 1, 4096, 64>}]} {
    %get3A = arith.constant 0 : index
    %get3A_0 = arith.constant 0 : index
    %get3A_1 = vector.load %arg5[%get3A, %get3A_0] : memref<64x64xf32, #tpu.memory_space<vmem>>, vector<64x64xf32>
    %get3A_2 = arith.constant 0 : index
    %get3A_3 = arith.constant 0 : index
    %get3A_4 = vector.load %arg6[%get3A_2, %get3A_3] : memref<1x64xf32, #tpu.memory_space<vmem>>, vector<1x64xf32>
    %get3A_5 = arith.constant 0 : index
    %get3A_6 = arith.constant 0 : index
    %get3A_7 = vector.load %arg4[%get3A_5, %get3A_6] : memref<4096x64xf32, #tpu.memory_space<vmem>>, vector<2048x64xf32>
    %get3A_8 = arith.constant 2048 : index
    %get3A_9 = arith.constant 0 : index
    %get3A_10 = vector.load %arg4[%get3A_8, %get3A_9] : memref<4096x64xf32, #tpu.memory_space<vmem>>, vector<2048x64xf32>
    %lt3A = arith.constant 2 : i32
    %lt3A_11 = arith.cmpi slt, %arg0, %lt3A : i32
    %convert_element_type3A = arith.extui %lt3A_11 : i1 to i32
    %cond3A = arith.constant 0 : i32
    %cond3A_12 = arith.cmpi ne, %convert_element_type3A, %cond3A : i32
    scf.if %cond3A_12 {
      %get3A_38 = arith.constant 0 : index
      %get3A_39 = arith.constant 0 : index
      %get3A_40 = vector.load %arg1[%get3A_38, %get3A_39] : memref<2048x128xf32, #tpu.memory_space<vmem>>, vector<2048x64xf32>
      %add3A_41 = arith.addf %get3A_40, %get3A_7 : vector<2048x64xf32>
      %dot_general3A_42 = arith.constant dense<0.000000e+00> : vector<2048x64xf32>
      %dot_general3A_43 = tpu.matmul %add3A_41, %get3A_1, %dot_general3A_42 {dimension_numbers = #tpu.dot_dimension_numbers<[1], [1], [0], [0], [0, 0, 1, 0], [], []>, transpose_lhs_hint = false} : vector<2048x64xf32>, vector<64x64xf32>, vector<2048x64xf32> -> vector<2048x64xf32>
      %add3A_44 = vector.broadcast %get3A_4 : vector<1x64xf32> to vector<2048x64xf32>
      %add3A_45 = arith.addf %dot_general3A_43, %add3A_44 : vector<2048x64xf32>
      %swap3A_46 = arith.constant 0 : index
      %swap3A_47 = arith.constant 0 : index
      %swap3A_48 = arith.constant 0 : index
      %swap3A_49 = vector.load %arg7[%swap3A_46, %swap3A_47, %swap3A_48] : memref<1x4096x64xf32, #tpu.memory_space<vmem>>, vector<1x2048x64xf32>
      %swap3A_50 = vector.shape_cast %swap3A_49 : vector<1x2048x64xf32> to vector<2048x64xf32>
      %swap3A_51 = vector.shape_cast %add3A_45 : vector<2048x64xf32> to vector<1x2048x64xf32>
      tpu.vector_store %arg7[%swap3A_46, %swap3A_47, %swap3A_48], %swap3A_51 {strides = array<i32>} : memref<1x4096x64xf32, #tpu.memory_space<vmem>>, vector<1x2048x64xf32>,
    } else {
    }
    %ge3A = arith.constant 2 : i32
    %ge3A_13 = arith.cmpi sge, %arg0, %ge3A : i32
    %convert_element_type3A_14 = arith.extui %ge3A_13 : i1 to i32
    %cond3A_15 = arith.constant 0 : i32
    %cond3A_16 = arith.cmpi ne, %convert_element_type3A_14, %cond3A_15 : i32
    scf.if %cond3A_16 {
      %get3A_38 = arith.constant 0 : index
      %get3A_39 = arith.constant 64 : index
      %get3A_40 = vector.load %arg1[%get3A_38, %get3A_39] : memref<2048x128xf32, #tpu.memory_space<vmem>>, vector<2048x64xf32>
      %add3A_41 = arith.addf %get3A_40, %get3A_7 : vector<2048x64xf32>
      %dot_general3A_42 = arith.constant dense<0.000000e+00> : vector<2048x64xf32>
      %dot_general3A_43 = tpu.matmul %add3A_41, %get3A_1, %dot_general3A_42 {dimension_numbers = #tpu.dot_dimension_numbers<[1], [1], [0], [0], [0, 0, 1, 0], [], []>, transpose_lhs_hint = false} : vector<2048x64xf32>, vector<64x64xf32>, vector<2048x64xf32> -> vector<2048x64xf32>
      %add3A_44 = vector.broadcast %get3A_4 : vector<1x64xf32> to vector<2048x64xf32>
      %add3A_45 = arith.addf %dot_general3A_43, %add3A_44 : vector<2048x64xf32>
      %swap3A_46 = arith.constant 0 : index
      %swap3A_47 = arith.constant 0 : index
      %swap3A_48 = arith.constant 0 : index
      %swap3A_49 = vector.load %arg7[%swap3A_46, %swap3A_47, %swap3A_48] : memref<1x4096x64xf32, #tpu.memory_space<vmem>>, vector<1x2048x64xf32>
      %swap3A_50 = vector.shape_cast %swap3A_49 : vector<1x2048x64xf32> to vector<2048x64xf32>
      %swap3A_51 = vector.shape_cast %add3A_45 : vector<2048x64xf32> to vector<1x2048x64xf32>
      tpu.vector_store %arg7[%swap3A_46, %swap3A_47, %swap3A_48], %swap3A_51 {strides = array<i32>} : memref<1x4096x64xf32, #tpu.memory_space<vmem>>, vector<1x2048x64xf32>,
    } else {
    }
    %get3A_17 = arith.constant 0 : index
    %get3A_18 = arith.constant 0 : index
    %get3A_19 = arith.constant 0 : index
    %get3A_20 = vector.load %arg2[%get3A_17, %get3A_18, %get3A_19] : memref<1x1x2048xi32, #tpu.memory_space<vmem>>, vector<1x1x2048xi32>
    %get3A_21 = vector.shape_cast %get3A_20 : vector<1x1x2048xi32> to vector<2048xi32>
    %iota3A = tpu.iota {dimensions = array<i32: 1>} : vector<2048x256xi32>
    %broadcast_in_dim3A = vector.shape_cast %get3A_21 : vector<2048xi32> to vector<2048x1xi32>
    %eq3A = vector.broadcast %broadcast_in_dim3A : vector<2048x1xi32> to vector<2048x256xi32>
    %eq3A_22 = arith.cmpi eq, %eq3A, %iota3A : vector<2048x256xi32>
    %convert_element_type3A_23 = arith.extui %eq3A_22 : vector<2048x256xi1> to vector<2048x256xi32>
    %convert_element_type3A_24 = arith.sitofp %convert_element_type3A_23 : vector<2048x256xi32> to vector<2048x256xf32>
    %get3A_25 = arith.constant 0 : index
    %get3A_26 = arith.constant 0 : index
    %get3A_27 = vector.load %arg3[%get3A_25, %get3A_26] : memref<256x64xf32, #tpu.memory_space<vmem>>, vector<256x64xf32>
    %dot_general3A = arith.constant dense<0.000000e+00> : vector<2048x64xf32>
    %dot_general3A_28 = tpu.matmul %convert_element_type3A_24, %get3A_27, %dot_general3A {dimension_numbers = #tpu.dot_dimension_numbers<[1], [0], [0], [1], [0, 0, 1, 1], [], []>, transpose_lhs_hint = false} : vector<2048x256xf32>, vector<256x64xf32>, vector<2048x64xf32> -> vector<2048x64xf32>
    %add3A = arith.addf %dot_general3A_28, %get3A_10 : vector<2048x64xf32>
    %dot_general3A_29 = arith.constant dense<0.000000e+00> : vector<2048x64xf32>
    %dot_general3A_30 = tpu.matmul %add3A, %get3A_1, %dot_general3A_29 {dimension_numbers = #tpu.dot_dimension_numbers<[1], [1], [0], [0], [0, 0, 1, 0], [], []>, transpose_lhs_hint = false} : vector<2048x64xf32>, vector<64x64xf32>, vector<2048x64xf32> -> vector<2048x64xf32>
    %add3A_31 = vector.broadcast %get3A_4 : vector<1x64xf32> to vector<2048x64xf32>
    %add3A_32 = arith.addf %dot_general3A_30, %add3A_31 : vector<2048x64xf32>
    %swap3A = arith.constant 0 : index
    %swap3A_33 = arith.constant 2048 : index
    %swap3A_34 = arith.constant 0 : index
    %swap3A_35 = vector.load %arg7[%swap3A, %swap3A_33, %swap3A_34] : memref<1x4096x64xf32, #tpu.memory_space<vmem>>, vector<1x2048x64xf32>
    %swap3A_36 = vector.shape_cast %swap3A_35 : vector<1x2048x64xf32> to vector<2048x64xf32>
    %swap3A_37 = vector.shape_cast %add3A_32 : vector<2048x64xf32> to vector<1x2048x64xf32>
    tpu.vector_store %arg7[%swap3A, %swap3A_33, %swap3A_34], %swap3A_37 {strides = array<i32>} : memref<1x4096x64xf32, #tpu.memory_space<vmem>>, vector<1x2048x64xf32>,
    return
  }
  func.func @transform_0(%arg0: i32) -> (i32, i32) {
    %jit3A = arith.constant 2 : i32
    %eq3A = arith.constant 0 : i32
    %eq3A_0 = arith.cmpi eq, %jit3A, %eq3A : i32
    %jit3A_1 = arith.constant 1 : i32
    %select_n3A = arith.select %eq3A_0, %jit3A_1, %jit3A : i32
    %rem3A = arith.remsi %arg0, %select_n3A : i32
    %ne3A = arith.constant 0 : i32
    %ne3A_2 = arith.cmpi ne, %rem3A, %ne3A : i32
    %lt3A = arith.constant 0 : i32
    %lt3A_3 = arith.cmpi slt, %rem3A, %lt3A : i32
    %lt3A_4 = arith.constant 0 : i32
    %lt3A_5 = arith.cmpi slt, %select_n3A, %lt3A_4 : i32
    %ne3A_6 = arith.xori %lt3A_3, %lt3A_5 : i1
    %and3A = arith.andi %ne3A_6, %ne3A_2 : i1
    %add3A = arith.addi %rem3A, %select_n3A : i32
    %select_n3A_7 = arith.select %and3A, %add3A, %rem3A : i32
    %c0_i32 = arith.constant 0 : i32
    %c0_i32_8 = arith.constant 0 : i32
    return %select_n3A_7, %c0_i32 : i32, i32
  }
  func.func @transform_1(%arg0: i32) -> (i32, i32, i32) {
    %c0_i32 = arith.constant 0 : i32
    %c0_i32_0 = arith.constant 0 : i32
    %c0_i32_1 = arith.constant 0 : i32
    return %arg0, %c0_i32, %c0_i32_0 : i32, i32, i32
  }
  func.func @transform_2(%arg0: i32) -> (i32, i32) {
    %c0_i32 = arith.constant 0 : i32
    %c0_i32_0 = arith.constant 0 : i32
    %c0_i32_1 = arith.constant 0 : i32
    return %c0_i32, %c0_i32_0 : i32, i32
  }
  func.func @transform_3(%arg0: i32) -> (i32, i32) {
    %c0_i32 = arith.constant 0 : i32
    %c0_i32_0 = arith.constant 0 : i32
    %c0_i32_1 = arith.constant 0 : i32
    return %c0_i32, %c0_i32_0 : i32, i32
  }
  func.func @transform_4(%arg0: i32) -> (i32, i32) {
    %c0_i32 = arith.constant 0 : i32
    %c0_i32_0 = arith.constant 0 : i32
    %c0_i32_1 = arith.constant 0 : i32
    return %c0_i32, %c0_i32_0 : i32, i32
  }
  func.func @transform_5(%arg0: i32) -> (i32, i32) {
    %c0_i32 = arith.constant 0 : i32
    %c0_i32_0 = arith.constant 0 : i32
    %c0_i32_1 = arith.constant 0 : i32
    return %c0_i32, %c0_i32_0 : i32, i32
  }
  func.func @transform_6(%arg0: i32) -> (i32, i32, i32) {
    %c0_i32 = arith.constant 0 : i32
    %c0_i32_0 = arith.constant 0 : i32
    %c0_i32_1 = arith.constant 0 : i32
    return %arg0, %c0_i32, %c0_i32_0 : i32, i32, i32
  }
}

</mosaic_0001>

<sc_bundles>
// kernel: kernel.4.cloned.1.call-start
scs
__scs_entry_jumppad:
0x0: {  	(pc) =	sbr.rel $0x88, $3  }
0x1: {  	(tag) =	ssettag $0x0;
	lr =	simm.s32 $0x1  }
0x2: {  	[smem:$0x3F9C] =	sst lr;
	_ =	strace $0xD0000000  }
0x3: {  	_ = 	snop  }
0x4: {  	_ = 	snop  }
0x5: {  	_ = 	snop  }
0x6: {  	_ = 	snop  }
0x7: {  	_ = 	snop  }
__scs_overlays_trampoline_lowered:
0x8: {  	[smem:$0x3FAB] =	sst s0  }
0x9: {  	[smem:$0x3FAC] =	sst s1  }
0xa: {  	[smem:$0x3FAD] =	sst s2  }
0xb: {  	[smem:$0x3FAE] =	sst s3  }
0xc: {  	[smem:$0x3FAF] =	sst s4  }
0xd: {  	[smem:$0x3FB0] =	sst s5  }
0xe: {  	[smem:$0x3FB1] =	sst s6  }
0xf: {  	[smem:$0x3FB2] =	sst s7  }
0x10: {  	[smem:$0x3FB3] =	sst s8  }
0x11: {  	[smem:$0x3FB4] =	sst s9;
	s0 =	simm.s32 @!p0 $0x0  }
0x12: {  	s1 =	sld [smem:$0x3F9A];
	s0 =	simm.s32 @p0 $0x1  }
0x13: {  	[smem:$0x3FB5] =	sst s0;
	s0 =	simm.s32 @!p1 $0x0  }
0x14: {  	s2 =	sld [smem:$0x3F99];
	s0 =	simm.s32 @p1 $0x1  }
0x15: {  	[smem:$0x3FB6] =	sst s0;
	s0 =	simm.s32 @!p2 $0x0  }
0x16: {  	s3 =	sld [smem:$0x3FDB];
	s0 =	simm.s32 @p2 $0x1  }
0x17: {  	s4 =	simm.s32 $0x1BF5;
	[smem:$0x3FB8] =	sst s0  }
0x18: {  	s0 =	sld [smem:$0x3F9B];
	_ =	swait.ge [sflag:s4], $0x0  }
0x19: {  	s7 =	sld [smem:$0x3F9C]  }
0x1a: {  	s8 =	sadd.s32 $0xFFFFE003, lr  }
0x1b: {  	s9 =	sadd.s32 $0xFFFFFEF7, lr;
	s5 =	simm.s32 $0xFFFFFFFF;
	p2 =	slt.u32 s8, $0xFFFFF086  }
0x1c: {  	p1 =	slt.u32 s9, $0xF7A;
	s5 =	simm.s32 @!p2 $0x0  }
0x1d: {  	s5 =	simm.s32 @p1 $0x1;
	p0 =	seq.s32 s7, s2  }
0x1e: {  	s7 =	smul.u32 @!p0 $0xF7A, s2;
	p2 =	seq.s32 @!p0 s5, $0x0  }
0x1f: {  	s9 =	smul.u32 $0xF7A, s1;
	s8 =	simm.s32 @!p0 $0x1BF5;
	p2 =	por !p2, p0  }
0x20: {  	[sflag:s8] =	ssyncset.s32 @!p0 $0xFFFFF086;
	s6 =	sadd.s32 @!p0 s3, s7;
	s7 =	simm.s32 @!p0 $0x108  }
0x21: {  	s3 =	sadd.s32 s3, s9;
	s6 =	sadd.s32 @!p0 $0x88, s6;
	s7 =	simm.s32 @p2 $0x1082  }
0x22: {  	[simem:s7], [sflag:s8] =	dma.local @!p0 [hbm:s6], $0xF7A  }
0x23: {  	s9 =	sor.u32 $0xD0000000, s2;
	s6 =	simm.s32 $0x108;
	_ =	swait.ge @!p0 [sflag:s8], $0x0  }
0x24: {  	s3 =	sadd.s32 $0x88, s3;
	s6 =	simm.s32 @!p1 $0x1082;
	[sflag:s4] =	ssyncset.s32 $0xFFFFF086  }
0x25: {  	[simem:s6], [sflag:s4] =	dma.local [hbm:s3], $0xF7A  }
0x26: {  	[smem:$0x3F9C] =	sst s1;
	(tag) =	ssettag s2;
	_ =	strace s9  }
0x27: {  	s1 =	sld [smem:$0x3FAC]  }
0x28: {  	s2 =	sld [smem:$0x3FAD]  }
0x29: {  	s4 =	sld [smem:$0x3FAF]  }
0x2a: {  	p0 =	seq.s32 s5, $0x0;
	s5 =	sld [smem:$0x3FB0]  }
0x2b: {  	s6 =	sld [smem:$0x3FB1]  }
0x2c: {  	s7 =	sld [smem:$0x3FB2]  }
0x2d: {  	s3 =	simm.s32 $0x108;
	s8 =	sld [smem:$0x3FB3]  }
0x2e: {  	s3 =	simm.s32 @!p0 $0x1082;
	s9 =	sld [smem:$0x3FB4]  }
0x2f: {  	lr =	sadd.s32 s0, s3;
	s0 =	sld [smem:$0x3FAB]  }
0x30: {  	s3 =	sld [smem:$0x3FAE]  }
0x31: {  	[smem:$0x3FB7] =	sst s10  }
0x32: {  	s10 =	sld [smem:$0x3FB5];
	_ =	sdelay $0x3  }
0x33: {  	p0 =	seq.s32 s10, $0x1;
	s10 =	sld [smem:$0x3FB7];
	_ =	sdelay $0x3  }
0x34: {  	[smem:$0x3FB7] =	sst s10  }
0x35: {  	s10 =	sld [smem:$0x3FB6];
	_ =	sdelay $0x3  }
0x36: {  	p1 =	seq.s32 s10, $0x1;
	s10 =	sld [smem:$0x3FB7];
	_ =	sdelay $0x3  }
0x37: {  	[smem:$0x3FB7] =	sst s10  }
0x38: {  	s10 =	sld [smem:$0x3FB8]  }
0x39: {  	_ = 	snop;
	(pc) =	sbr.ind lr, $3  }
0x3a: {  	_ = 	snop  }
0x3b: {  	_ = 	snop  }
0x3c: {  	p2 =	seq.s32 s10, $0x1;
	s10 =	sld [smem:$0x3FB7]  }
0x3d: {  	_ =	shalt  }
0x3e: {  	_ =	shalt  }
0x3f: {  	_ =	shalt  }
0x40: {  	_ =	shalt  }
0x41: {  	_ =	shalt  }
0x42: {  	_ =	shalt  }
0x43: {  	_ =	shalt  }
0x44: {  	_ =	shalt  }
0x45: {  	_ =	shalt  }
0x46: {  	_ =	shalt  }
0x47: {  	_ =	shalt  }
0x48: {  	_ =	shalt  }
0x49: {  	_ =	shalt  }
0x4a: {  	_ =	shalt  }
0x4b: {  	_ =	shalt  }
0x4c: {  	_ =	shalt  }
0x4d: {  	_ =	shalt  }
0x4e: {  	_ =	shalt  }
0x4f: {  	_ =	shalt  }
0x50: {  	_ =	shalt  }
0x51: {  	_ =	shalt  }
0x52: {  	_ =	shalt  }
0x53: {  	_ =	shalt  }
0x54: {  	_ =	shalt  }
0x55: {  	_ =	shalt  }
0x56: {  	_ =	shalt  }
0x57: {  	_ =	shalt  }
0x58: {  	_ =	shalt  }
0x59: {  	_ =	shalt  }
0x5a: {  	_ =	shalt  }
0x5b: {  	_ =	shalt  }
0x5c: {  	_ =	shalt  }
0x5d: {  	_ =	shalt  }
0x5e: {  	_ =	shalt  }
0x5f: {  	_ =	shalt  }
0x60: {  	_ =	shalt  }
0x61: {  	_ =	shalt  }
0x62: {  	_ =	shalt  }
0x63: {  	_ =	shalt  }
0x64: {  	_ =	shalt  }
0x65: {  	_ =	shalt  }
0x66: {  	_ =	shalt  }
0x67: {  	_ =	shalt  }
0x68: {  	_ =	shalt  }
0x69: {  	_ =	shalt  }
0x6a: {  	_ =	shalt  }
0x6b: {  	_ =	shalt  }
0x6c: {  	_ =	shalt  }
0x6d: {  	_ =	shalt  }
0x6e: {  	_ =	shalt  }
0x6f: {  	_ =	shalt  }
0x70: {  	_ =	shalt  }
0x71: {  	_ =	shalt  }
0x72: {  	_ =	shalt  }
0x73: {  	_ =	shalt  }
0x74: {  	_ =	shalt  }
0x75: {  	_ =	shalt  }
0x76: {  	_ =	shalt  }
0x77: {  	_ =	shalt  }
0x78: {  	_ =	shalt  }
0x79: {  	_ =	shalt  }
0x7a: {  	_ =	shalt  }
0x7b: {  	_ =	shalt  }
0x7c: {  	_ =	shalt  }
0x7d: {  	_ =	shalt  }
0x7e: {  	_ =	shalt  }
0x7f: {  	_ =	shalt  }
0x80: {  	_ =	shalt  }
0x81: {  	_ =	shalt  }
0x82: {  	_ =	shalt  }
0x83: {  	_ =	shalt  }
0x84: {  	_ =	shalt  }
0x85: {  	_ =	shalt  }
0x86: {  	_ =	shalt  }
0x87: {  	_ =	shalt  }
.Lfunc_end0:
.L_simem_size_0:
called_computation_lowered:
.L_overlay_start_0:
0x88: {  	s2 =	sld [smem:$0x3FD9]  }
0x89: {  	s3 =	sld [smem:$0x3FFE];
	_ =	sdelay $0x1  }
0x8a: {  	s1 =	srdreg.scid  }
0x8b: {  	s0 =	sand.u32 $0x1, s1  }
0x8c: {  	s17 =	sshll.u32 s0, $0xA;
	s2 =	sadd.s32 s3, s2  }
0x8d: {  	s2 =	sadd.s32 s2, s17  }
0x8e: {  	[smem:$0x3FC3] =	sst s2  }
0x8f: {  	_ = 	snop  }
0x90: {  	s2 =	sld [smem:$0x3FD0];
	(tm) =	ssettm $0x1  }
0x91: {  	s18 =	sld [smem:$0x3FFB];
	_ =	sdelay $0x3  }
0x92: {  	_ =	strace s18  }
0x93: {  	s3 =	sld [smem:$0x3FFC];
	_ =	sdelay $0x3  }
0x94: {  	_ =	strace s3  }
0x95: {  	s3 =	sld [smem:$0x3FFD];
	_ =	sdelay $0x3  }
0x96: {  	_ =	strace s3  }
0x97: {  	_ =	strace $0x8FFFFFFF  }
0x98: {  	s19 =	sld [smem:$0x3FDB];
	_ =	sdelay $0x1  }
0x99: {  	s4 =	simm.s32 $_scs_section_size  }
0x9a: {  	s5 =	simm.s32 $_size__tile_overlayer_lowered;
	s6 =	simm.s32 $_tile_overlayer_lowered  }
0x9b: {  	s22 =	simm.s32 $0x1BFF;
	s21 =	sshll.u32 s6, $0x1;
	s3 =	sadd.s32 s4, s19  }
0x9c: {  	s7 =	simm.s32 $0x0;
	s20 =	sshll.u32 s5, $0x1;
	s5 =	sadd.s32 s21, s3  }
0x9d: {  	[timem:s7], [sflag:s22] =	dma.local [hbm:s5], s20  }
0x9e: {  	_ =	swait.ge [sflag:s22], s20  }
0x9f: {  	s4 =	ssub.s32 $0x0, s20;
	[sflag:s22] =	ssyncset.done $0x0  }
0xa0: {  	[sflag:s22] =	ssyncadd.s32 s4;
	_ =	sdelay $0x1  }
0xa1: {  	s23 =	simm.s32 $0x1B8B  }
0xa2: {  	_ =	swait.ge [sflag:s23], $0x1  }
0xa3: {  	[sflag:s23] =	ssyncset.done $0x0  }
0xa4: {  	s25 =	simm.s32 $0x1B8E;
	s24 =	sld [smem:$0x3FFE];
	[sflag:s23] =	ssyncadd.s32 $0xFFFFFFFF  }
0xa5: {  	s26 =	simm.s32 $execute0_lowered;
	[smem:$0x3FD2] =	sst s25  }
0xa6: {  	s5 =	sshll.u32 s26, $0x1;
	_ =	strace $0x80000046;
	[dreg:$0x1] =	wrdreg $0xFFFFFFFF  }
0xa7: {  	s28 =	simm.s32 $_size_execute0_lowered;
	s3 =	sadd.s32 s3, s5;
	[dreg:$0x0] =	wrdreg $0x0  }
0xa8: {  	s5 =	sshll.u32 s28, $0x1;
	[dreg:$0x2] =	wrdreg s3  }
0xa9: {  	[dreg:$0x3] =	wrdreg s5  }
0xaa: {  	[dreg:$0x4] =	wrdreg $0xC0  }
0xab: {  	_ =	task [dreg:s7], $0x5FFFF  }
0xac: {  	[dreg:$0x1] =	wrdreg $0xFFFFFFFF  }
0xad: {  	[dreg:$0x0] =	wrdreg $0x60  }
0xae: {  	[dreg:$0x2] =	wrdreg s24  }
0xaf: {  	[dreg:$0x3] =	wrdreg s2  }
0xb0: {  	[dreg:$0x4] =	wrdreg $0x9  }
0xb1: {  	_ =	task.clear_ibuf [dreg:s7], $0x5FFFF;
	_ =	strace $0x90000046  }
0xb2: {  	s29 =	simm.s32 $0x9;
	_ =	strace $0x80000048  }
0xb3: {  	_ =	swait.ge [sflag:s29], $0x1  }
0xb4: {  	[sflag:s29] =	ssyncadd.s32 $0xFFFFFFFF  }
0xb5: {  	_ =	strace $0x90000048  }
0xb6: {  	_ =	sfence  }
0xb7: {  	s30 =	sld [smem:$0x0];
	_ =	sdelay $0x2  }
0xb8: {  	s31 =	sshll.u32 s1, $0xD;
	s1 =	sshrl.u32 s1, $0x2  }
0xb9: {  	s3 =	sand.u32 $0x4000, s31;
	s1 =	sadd.s32 s1, s30  }
0xba: {  	s0 =	sor.u32 s3, s0;
	s1 =	sshll.u32 s1, $0x11  }
0xbb: {  	s0 =	sor.u32 s1, s0  }
0xbc: {  	s0 =	sadd.s32 $0x8F2B, s0  }
0xbd: {  	[sflag:s0] =	ssyncadd.remote.s32 $0x1  }
0xbe: {  	_ =	sfence.sel $0xFFFF  }
0xbf: {  	[dreg:$0x0] =	wrdreg $0xFFFFFFFF;
	(pc) =	sbr.abs _section_cstart, $3  }
0xc0: {  	[dreg:$0x1] =	wrdreg $0xFFFFFFFF  }
0xc1: {  	_ =	task.clear_ibuf [dreg:s7], $0x2FFFF;
	_ =	strace $0x9FFFFFFF  }
0xc2: {  	(tm) =	ssettm $0x7FFFFFFF  }
0xc3: {  	_ =	shalt  }
tec
execute0_lowered:
.L_overlay_start_1:
0x0: {  	(tag) =	ssettag $0x1  }
0x1: {  	s1 =	srdreg.scid;
	s0 =	stileid.u32  }
0x2: {  	s13 =	sand.u32 $0x1, s1;
	s30 =	sshll.u32 s0, $0x1  }
0x3: {  	s11 =	sor.u32 s13, s30  }
0x4: {  	s5 =	rddreg [dreg:$0x0];
	s31 =	sshll.u32 s0, $0x6;
	s2 =	sshll.u32 s11, $0x4  }
0x5: {  	s12 =	rddreg [dreg:$0x1];
	s3 =	sand.u32 $0x200, s31;
	s4 =	sand.u32 $0xF0, s2  }
0x6: {  	s1 =	rddreg [dreg:$0x2];
	s2 =	simm.s32 $0x0;
	s3 =	sor.u32 s3, s4  }
0x7: {  	[smem:$0x7FF] =	sst s2;
	s8 =	sadd.s32 s3, s5  }
0x8: {  	_ =	strace $0x80000047;
	s3 =	simm.s32 $0x3;
	s4 =	sadd.s32 $0xE00, s8  }
0x9: {  	[tilespmem:s2], [sflag:$0x3] =	stream.linear.gather [hbm4b:s4+s2], $0x80, $0x38;
	[tilespmem:$0x4100] =	vst v63  }
0xa: {  	_ =	swait.ge [sflag:s3], $0x80  }
0xb: {  	s6 =	simm.s32 $0x80;
	[sflag:s3] =	ssyncset.done $0x0  }
0xc: {  	s7 =	simm.s32 $0x100;
	s5 =	sadd.s32 $0x1600, s5;
	[sflag:s3] =	ssyncadd.s32 $0xFFFFFF80  }
0xd: {  	[tilespmem:s7], [sflag:$0x1] =	stream.indirect.gather [hbm4b:s5+s6], $0x40, s2, s6, $0xb8;
	[tilespmem:$0x4100] =	vst v63  }
0xe: {  	s8 =	sadd.s32 $0x1200, s8  }
0xf: {  	[tilespmem:s6], [sflag:$0x3] =	stream.linear.gather [hbm4b:s8+s2], $0x80, $0x38;
	[tilespmem:$0x4100] =	vst v63  }
0x10: {  	_ =	swait.ge [sflag:s3], $0x80  }
0x11: {  	[sflag:s3] =	ssyncset.done $0x0  }
0x12: {  	s9 =	simm.s32 $0x2100;
	s10 =	simm.s32 $0x1;
	[sflag:s3] =	ssyncadd.s32 $0xFFFFFF80  }
0x13: {  	[tilespmem:s9], [sflag:$0x2] =	stream.indirect.gather [hbm4b:s5+s6], $0x40, s6, s6, $0xb8;
	[tilespmem:$0x4100] =	vst v63  }
0x14: {  	_ =	swait.ge [sflag:s10], $0x2000  }
0x15: {  	s14 =	ssub.s32 $0x2, s13;
	s11 =	sshll.u32 s11, $0xB;
	[sflag:s10] =	ssyncset.done $0x0  }
0x16: {  	s11 =	sadd.s32 s12, s11;
	s12 =	simm.s32 $0x40;
	[sflag:s10] =	ssyncadd.s32 $0xFFFFE000  }
0x17: {  	[hbm4b:s11+s12] =	stream.strided.scatter [tilespmem:s7], [sflag:$0x3], $0x2000, s6, s12, $0x38;
	[tilespmem:$0x4100] =	vst v63  }
0x18: {  	s15 =	sshrl.u32 s14, $0x1;
	_ =	swait.ge [sflag:s3], $0x2000  }
0x19: {  	s14 =	ssub.s32 s14, s15;
	[sflag:s3] =	ssyncset.done $0x0  }
0x1a: {  	s13 =	simm.s32 $0x2;
	s15 =	smax.u32 s14, $0x1;
	[sflag:s3] =	ssyncadd.s32 $0xFFFFE000  }
0x1b: {  	p0 =	sne.s32 s15, $0x1;
	_ =	swait.ge [sflag:s13], $0x2000  }
.Ltmp0:
0x1c: {  	[sflag:s13] =	ssyncset.done $0x0;
	(pc) =	sbr.rel @!p0 .LBB2_2-.Ltmp0, $4  }
0x1d: {  	s14 =	sadd.s32 $0x8, s11;
	[sflag:s13] =	ssyncadd.s32 $0xFFFFE000  }
0x1e: {  	[hbm4b:s14+s12] =	stream.strided.scatter [tilespmem:s9], [sflag:$0x3], $0x2000, s6, s12, $0x38;
	[tilespmem:$0x4100] =	vst v63  }
0x1f: {  	_ =	swait.ge [sflag:s3], $0x2000  }
0x20: {  	s15 =	sadd.s32 $0xFFFFFFFF, s15;
	[sflag:s3] =	ssyncset.done $0x0  }
.LBB2_1:
0x21: {  	p0 =	sne.s32 s15, $0x1;
	s15 =	sadd.s32 $0xFFFFFFFF, s15;
	[sflag:s3] =	ssyncadd.s32 $0xFFFFE000  }
0x22: {  	[tilespmem:s2], [sflag:$0x3] =	stream.linear.gather [hbm4b:s4+s2], $0x80, $0x38;
	[tilespmem:$0x4100] =	vst v63  }
0x23: {  	_ =	swait.ge [sflag:s3], $0x80  }
0x24: {  	[sflag:s3] =	ssyncset.done $0x0  }
0x25: {  	[sflag:s3] =	ssyncadd.s32 $0xFFFFFF80  }
0x26: {  	[tilespmem:s7], [sflag:$0x1] =	stream.indirect.gather [hbm4b:s5+s6], $0x40, s2, s6, $0xb8;
	[tilespmem:$0x4100] =	vst v63  }
0x27: {  	_ = 	snop  }
0x28: {  	[tilespmem:s6], [sflag:$0x3] =	stream.linear.gather [hbm4b:s8+s2], $0x80, $0x38;
	[tilespmem:$0x4100] =	vst v63  }
0x29: {  	_ =	swait.ge [sflag:s3], $0x80  }
0x2a: {  	[sflag:s3] =	ssyncset.done $0x0  }
0x2b: {  	[sflag:s3] =	ssyncadd.s32 $0xFFFFFF80  }
0x2c: {  	[tilespmem:s9], [sflag:$0x2] =	stream.indirect.gather [hbm4b:s5+s6], $0x40, s6, s6, $0xb8;
	[tilespmem:$0x4100] =	vst v63  }
0x2d: {  	_ =	swait.ge [sflag:s10], $0x2000  }
0x2e: {  	[sflag:s10] =	ssyncset.done $0x0  }
0x2f: {  	[sflag:s10] =	ssyncadd.s32 $0xFFFFE000  }
0x30: {  	[hbm4b:s11+s12] =	stream.strided.scatter [tilespmem:s7], [sflag:$0x3], $0x2000, s6, s12, $0x38;
	[tilespmem:$0x4100] =	vst v63  }
0x31: {  	_ =	swait.ge [sflag:s3], $0x2000  }
0x32: {  	[sflag:s3] =	ssyncset.done $0x0  }
0x33: {  	[sflag:s3] =	ssyncadd.s32 $0xFFFFE000  }
0x34: {  	_ =	swait.ge [sflag:s13], $0x2000  }
.Ltmp1:
0x35: {  	[sflag:s13] =	ssyncset.done $0x0;
	(pc) =	sbr.rel @p0 .LBB2_1-.Ltmp1, $4  }
0x36: {  	[sflag:s13] =	ssyncadd.s32 $0xFFFFE000  }
0x37: {  	[hbm4b:s14+s12] =	stream.strided.scatter [tilespmem:s9], [sflag:$0x3], $0x2000, s6, s12, $0x38;
	[tilespmem:$0x4100] =	vst v63  }
0x38: {  	_ =	swait.ge [sflag:s3], $0x2000  }
0x39: {  	[sflag:s3] =	ssyncset.done $0x0  }
.LBB2_2:
0x3a: {  	[sflag:s3] =	ssyncadd.s32 $0xFFFFE000  }
0x3b: {  	_ =	sfence.sel $0x180000  }
0x3c: {  	[bflag:$0x0] =	sbarrier.arrive $0xFFFF  }
0x3d: {  	p0 =	sne.s32 s0, $0x0;
	_ =	strace $0x90000047  }
0x3e: {  	s0 =	sadd.s32 @!p0 $0x100000, s1;
	[bflag:$0x2] =	sbarrier.arrive $0xFFFF  }
0x3f: {  	[sflag:s0] =	ssyncadd.tile.s32 @!p0 $0x1;
	_ =	shalt  }
.Lfunc_end2:
_tile_overlayer_lowered:
.L_overlay_start_2:
0x40: {  	(tag) =	ssettag $0x2  }
0x41: {  	s0 =	rddreg [dreg:$0x0];
	s2 =	stileid.u32  }
0x42: {  	s1 =	rddreg [dreg:$0x1];
	p0 =	sne.s32 s2, $0x0  }
0x43: {  	s3 =	rddreg [dreg:$0x2];
	[bflag:$0x3] =	sbarrier.arrive $0xFFFF;
	s2 =	simm.s32 @!p0 $0x1C03  }
0x44: {  	[timem:s3], [sflag:s2] =	dma.local @!p0 [hbm:s0], s1  }
0x45: {  	s0 =	simm.s32 @!p0 $0x3  }
0x46: {  	_ =	swait.ge @!p0 [sflag:s0], s1  }
0x47: {  	s1 =	ssub.s32 @!p0 $0x0, s1;
	[sflag:s0] =	ssyncset.done @!p0 $0x0  }
0x48: {  	[sflag:s0] =	ssyncadd.s32 @!p0 s1  }
0x49: {  	[bflag:$0x3] =	sbarrier.arrive $0xFFFF  }
0x4a: {  	_ =	shalt  }

</sc_bundles>
